<compile_context>
chip_gen: v7x
topology: tpu7x:2x2x1
jax: 0.10.2.dev20260603
libtpu: 0.0.44.dev20260713+nightly
codegen_flags: <defaults>
</compile_context>

<pallas_src>
import functools

import jax
import jax.numpy as jnp
from jax import lax
from jax.experimental import pallas as pl
from jax.experimental.pallas import tpu as pltpu
from jax.experimental.pallas import tpu_sc as plsc

B = 256
N = 65536
K = 10
BN = 8192
G = N // BN

NC = 2
NS = 16
L = 16
NW = NC * NS
CHUNK = N // NW
GROUPS = CHUNK // L


def _sc_prep_body(rates_hbm, assoc_hbm, occp_hbm, rbuf, abuf, obuf):
    wid = lax.axis_index("s") * NC + lax.axis_index("c")
    base = wid * CHUNK
    if True:
        obuf[...] = jnp.zeros((L,), jnp.float32)
        pltpu.sync_copy(obuf, occp_hbm.at[wid])
        return
    pltpu.sync_copy(rates_hbm.at[pl.ds(base, CHUNK), :], rbuf)

    lane = lax.iota(jnp.int32, L)
    zero = jnp.zeros((L,), jnp.float32)

    @plsc.parallel_loop(0, GROUPS, unroll=4, carry=(zero,) * K)
    def group(i, counts):
        rowbase = i * L
        rows = rowbase + lane
        vals = [
            plsc.load_gather(rbuf, [rows, jnp.full((L,), k, jnp.int32)])
            for k in range(K)
        ]
        denom = jnp.abs(vals[0])
        for k in range(1, K):
            denom = denom + jnp.abs(vals[k])
        denom = jnp.maximum(denom, 1e-12)
        m = vals[0]
        for k in range(1, K):
            m = jnp.maximum(m, vals[k])
        w = m / denom
        amax = jnp.full((L,), K, jnp.int32)
        for k in range(K - 1, -1, -1):
            amax = jnp.where(vals[k] == m, k, amax)
        new_counts = []
        for k in range(K):
            hit = amax == k
            abuf[k, pl.ds(rowbase, L)] = jnp.where(hit, w, 0.0)
            new_counts.append(counts[k] + jnp.where(hit, 1.0, 0.0))
        return tuple(new_counts)

    counts = group

    occ = jnp.zeros((L,), jnp.float32)
    for k in range(K):
        occ = jnp.where(lane == k, jnp.sum(counts[k]), occ)
    obuf[...] = occ

    pltpu.sync_copy(abuf, assoc_hbm.at[:, pl.ds(base, CHUNK)])
    pltpu.sync_copy(obuf, occp_hbm.at[wid])


_sc_prep = pl.kernel(
    _sc_prep_body,
    out_type=(
        jax.ShapeDtypeStruct((K, N), jnp.float32),
        jax.ShapeDtypeStruct((NW, L), jnp.float32),
    ),
    mesh=plsc.VectorSubcoreMesh(core_axis_name="c", subcore_axis_name="s"),
    compiler_params=pltpu.CompilerParams(
        needs_layout_passes=False, use_tc_tiling_on_sc=False),
    scratch_types=[
        pltpu.VMEM((CHUNK, K), jnp.float32),
        pltpu.VMEM((K, CHUNK), jnp.float32),
        pltpu.VMEM((L,), jnp.float32),
    ],
)


def _tc_body(x_ref, a_ref, occp_ref, o_ref):
    i = pl.program_id(0)

    @pl.when(i == 0)
    def _init():
        o_ref[...] = jnp.zeros_like(o_ref)

    x = x_ref[...].astype(jnp.bfloat16)
    assoc = a_ref[...].astype(jnp.bfloat16)
    o_ref[...] += jax.lax.dot_general(
        x, assoc,
        dimension_numbers=(((1,), (1,)), ((), ())),
        preferred_element_type=jnp.float32,
    )

    @pl.when(i == G - 1)
    def _finish():
        occ = jnp.sum(occp_ref[...], axis=0, keepdims=True)[:, :K]
        y = o_ref[...]
        o_ref[...] = jnp.where(occ > 0.0, y / occ, 0.0)


@jax.jit
def kernel(inputs, rates):
    assoc, occp = _sc_prep(rates)
    out = pl.pallas_call(
        _tc_body,
        grid=(G,),
        in_specs=[
            pl.BlockSpec((B, BN), lambda i: (0, i)),
            pl.BlockSpec((K, BN), lambda i: (0, i)),
            pl.BlockSpec((NW, L), lambda i: (0, 0)),
        ],
        out_specs=pl.BlockSpec((B, K), lambda i: (0, 0)),
        out_shape=jax.ShapeDtypeStruct((B, K), jnp.float32),
        compiler_params=pltpu.CompilerParams(
            dimension_semantics=("arbitrary",),
        ),
    )(inputs, assoc, occp)
    return out

# --- scband reference (transcript-rebuilt; emitter-appended) ---
"""Pipeline reference for scband-max-rate-classifier-90752658964599 (READ-ONLY COPY).

The authoritative reference and input builder live on the scoring server;
editing this copy changes nothing except your own understanding.
"""

import jax, jax.numpy as jnp
import numpy as np

B = 256
N = 65536
K = 10

def setup_inputs(seed: int = 0) -> dict:
    key = jax.random.key(seed)
    k1, k2 = jax.random.split(key)
    # batched spike rates to classify (nonnegative firing rates)
    inputs = jax.random.uniform(k1, (B, N), dtype=jnp.float32)
    # learned parameter: per-neuron, per-class accumulated spike rates (rates_)
    rates = jax.random.uniform(k2, (N, K), dtype=jnp.float32)
    return {"inputs": inputs, "rates": rates}

def reference(inputs, rates):
    k = rates.shape[-1]
    # proportions = F.normalize(rates, p=1, dim=-1)  (eps=1e-12 clamp on the L1 norm)
    denom = jnp.maximum(jnp.sum(jnp.abs(rates), axis=-1, keepdims=True), 1e-12)
    proportions = rates / denom
    # assignments = argmax over classes of normalized rates
    assignments = jnp.argmax(proportions, axis=-1)
    # occurrences = bincount of assignments over K classes
    occurrences = jnp.bincount(assignments.reshape(-1), length=k)
    # proportional=True: assocs = one_hot(assignments) * proportions
    assocs = jax.nn.one_hot(assignments.reshape(-1), k, dtype=jnp.float32) * proportions.reshape(-1, k)
    # ylogits = (inputs @ assocs) / occurrences, with nan->0, +inf->0
    ylogits = jnp.matmul(inputs.reshape(inputs.shape[0], -1), assocs) / occurrences.astype(jnp.float32)
    ylogits = jnp.nan_to_num(ylogits, nan=0.0, posinf=0.0)
    return ylogits

if __name__ == "__main__":
    import jax
    _d = setup_inputs()
    print(jax.jit(kernel)(*tuple(_d.values())))

</pallas_src>

<mosaic_0001>
#map = affine_map<(d0, d1) -> (0, 0)>
module attributes {stable_mosaic.version = 14 : i64} {
  func.func @_sc_prep_body(%arg0: i32, %arg1: i32, %arg2: memref<65536x10xf32, #tpu.memory_space<hbm>>, %arg3: memref<10x65536xf32, #tpu.memory_space<hbm>>, %arg4: memref<32x16xf32, #tpu.memory_space<hbm>>, %arg5: memref<2048x10xf32, #tpu.memory_space<vmem>>, %arg6: memref<10x2048xf32, #tpu.memory_space<vmem>>, %arg7: memref<16xf32, #tpu.memory_space<vmem>>) attributes {dimension_semantics = [#tpu.dimension_semantics<core_parallel>, #tpu.dimension_semantics<subcore_parallel>], iteration_bounds = array<i64: 2, 16>, scalar_prefetch = 0 : i64, scratch_operands = 3 : i64, tpu.core_type = #tpu.core_type<sc_vector_subcore>, window_params = [{transform_indices = #map}, {transform_indices = #map}, {transform_indices = #map}]} {
    %mul3A = arith.constant 2 : i32
    %mul3A_0 = arith.muli %arg1, %mul3A : i32
    %add3A = arith.addi %mul3A_0, %arg0 : i32
    %mul3A_1 = arith.constant 2048 : i32
    %mul3A_2 = arith.muli %add3A, %mul3A_1 : i32
    %broadcast_in_dim3A = arith.constant 0.000000e+00 : f32
    %broadcast_in_dim3A_3 = vector.broadcast %broadcast_in_dim3A : f32 to vector<16xf32>
    %swap3A = arith.constant 0 : index
    %swap3A_4 = tpu.vector_load %arg7[%swap3A] {strides = array<i32>} : memref<16xf32, #tpu.memory_space<vmem>>, vector<16xf32>,
    tpu.vector_store %arg7[%swap3A], %broadcast_in_dim3A_3 {strides = array<i32>} : memref<16xf32, #tpu.memory_space<vmem>>, vector<16xf32>,
    "tpu.region"() ({
      %run_scoped3A = tpu.sem_alloc : memref<!tpu.dma_semaphore, #tpu.memory_space<semaphore_mem>>
      %dma_start3A = arith.constant 0 : i32
      %dma_start3A_5 = tpu.memref_slice %arg4[%add3A, %dma_start3A] : memref<32x16xf32, #tpu.memory_space<hbm>> -> memref<1x16xf32, #tpu.memory_space<hbm>>
      %dma_start3A_6 = tpu.memref_squeeze %dma_start3A_5 : memref<1x16xf32, #tpu.memory_space<hbm>> -> memref<16xf32, #tpu.memory_space<hbm>>
      %dma_start3A_7 = arith.constant 0 : i32
      %dma_start3A_8 = tpu.memref_slice %arg4[%add3A, %dma_start3A_7] : memref<32x16xf32, #tpu.memory_space<hbm>> -> memref<1x16xf32, #tpu.memory_space<hbm>>
      %dma_start3A_9 = tpu.memref_squeeze %dma_start3A_8 : memref<1x16xf32, #tpu.memory_space<hbm>> -> memref<16xf32, #tpu.memory_space<hbm>>
      tpu.enqueue_dma source(%arg7 : memref<16xf32, #tpu.memory_space<vmem>>) target(%dma_start3A_9 : memref<16xf32, #tpu.memory_space<hbm>>) target_semaphore(%run_scoped3A : memref<!tpu.dma_semaphore, #tpu.memory_space<semaphore_mem>>)
      %dma_wait3A = arith.constant 0 : i32
      %dma_wait3A_10 = tpu.memref_slice %arg4[%add3A, %dma_wait3A] : memref<32x16xf32, #tpu.memory_space<hbm>> -> memref<1x16xf32, #tpu.memory_space<hbm>>
      %dma_wait3A_11 = tpu.memref_squeeze %dma_wait3A_10 : memref<1x16xf32, #tpu.memory_space<hbm>> -> memref<16xf32, #tpu.memory_space<hbm>>
      %dma_wait3A_12 = arith.constant 0 : i32
      %dma_wait3A_13 = tpu.memref_slice %arg4[%add3A, %dma_wait3A_12] : memref<32x16xf32, #tpu.memory_space<hbm>> -> memref<1x16xf32, #tpu.memory_space<hbm>>
      %dma_wait3A_14 = tpu.memref_squeeze %dma_wait3A_13 : memref<1x16xf32, #tpu.memory_space<hbm>> -> memref<16xf32, #tpu.memory_space<hbm>>
      tpu.wait_dma2 semaphore(%run_scoped3A : memref<!tpu.dma_semaphore, #tpu.memory_space<semaphore_mem>>) src(%arg7 : memref<16xf32, #tpu.memory_space<vmem>>) dst(%dma_wait3A_14 : memref<16xf32, #tpu.memory_space<hbm>>)
      tpu.yield
    }) : () -> ()
    return
  }
}

module attributes {stable_mosaic.version = 14 : i64} {
  func.func @_tc_body(%arg0: i32, %arg1: memref<256x8192xf32, #tpu.memory_space<vmem>>, %arg2: memref<10x8192xf32, #tpu.memory_space<vmem>>, %arg3: memref<32x16xf32, #tpu.memory_space<vmem>>, %arg4: memref<256x10xf32, #tpu.memory_space<vmem>>) attributes {dimension_semantics = [#tpu.dimension_semantics<arbitrary>], iteration_bounds = array<i64: 8>, scalar_prefetch = 0 : i64, scratch_operands = 0 : i64, tpu.core_type = #tpu.core_type<tc>, window_params = [{transform_indices = @transform_0, window_bounds = array<i64: 256, 8192>}, {transform_indices = @transform_1, window_bounds = array<i64: 10, 8192>}, {pipeline_mode = #tpu.pipeline_mode<synchronous>, transform_indices = @transform_2, window_bounds = array<i64: 32, 16>}, {pipeline_mode = #tpu.pipeline_mode<synchronous>, transform_indices = @transform_3, window_bounds = array<i64: 256, 10>}]} {
    %eq3A = arith.constant 0 : i32
    %eq3A_0 = arith.cmpi eq, %arg0, %eq3A : i32
    %convert_element_type3A = arith.extui %eq3A_0 : i1 to i32
    %cond3A = arith.constant 0 : i32
    %cond3A_1 = arith.cmpi ne, %convert_element_type3A, %cond3A : i32
    scf.if %cond3A_1 {
      %broadcast_in_dim3A = arith.constant 0.000000e+00 : f32
      %broadcast_in_dim3A_20 = vector.broadcast %broadcast_in_dim3A : f32 to vector<256x10xf32>
      %swap3A_21 = arith.constant 0 : index
      %swap3A_22 = arith.constant 0 : index
      %swap3A_23 = vector.load %arg4[%swap3A_21, %swap3A_22] : memref<256x10xf32, #tpu.memory_space<vmem>>, vector<256x10xf32>
      tpu.vector_store %arg4[%swap3A_21, %swap3A_22], %broadcast_in_dim3A_20 {strides = array<i32>} : memref<256x10xf32, #tpu.memory_space<vmem>>, vector<256x10xf32>,
    } else {
    }
    %get3A = arith.constant 0 : index
    %get3A_2 = arith.constant 0 : index
    %get3A_3 = vector.load %arg1[%get3A, %get3A_2] : memref<256x8192xf32, #tpu.memory_space<vmem>>, vector<256x8192xf32>
    %convert_element_type3A_4 = arith.truncf %get3A_3 : vector<256x8192xf32> to vector<256x8192xbf16>
    %get3A_5 = arith.constant 0 : index
    %get3A_6 = arith.constant 0 : index
    %get3A_7 = vector.load %arg2[%get3A_5, %get3A_6] : memref<10x8192xf32, #tpu.memory_space<vmem>>, vector<10x8192xf32>
    %convert_element_type3A_8 = arith.truncf %get3A_7 : vector<10x8192xf32> to vector<10x8192xbf16>
    %get3A_9 = arith.constant 0 : index
    %get3A_10 = arith.constant 0 : index
    %get3A_11 = vector.load %arg4[%get3A_9, %get3A_10] : memref<256x10xf32, #tpu.memory_space<vmem>>, vector<256x10xf32>
    %dot_general3A = arith.constant dense<0.000000e+00> : vector<256x10xf32>
    %dot_general3A_12 = tpu.matmul %convert_element_type3A_4, %convert_element_type3A_8, %dot_general3A {dimension_numbers = #tpu.dot_dimension_numbers<[1], [1], [0], [0], [0, 0, 1, 0], [], []>, transpose_lhs_hint = false} : vector<256x8192xbf16>, vector<10x8192xbf16>, vector<256x10xf32> -> vector<256x10xf32>
    %add3A = arith.addf %get3A_11, %dot_general3A_12 : vector<256x10xf32>
    %swap3A = arith.constant 0 : index
    %swap3A_13 = arith.constant 0 : index
    %swap3A_14 = vector.load %arg4[%swap3A, %swap3A_13] : memref<256x10xf32, #tpu.memory_space<vmem>>, vector<256x10xf32>
    tpu.vector_store %arg4[%swap3A, %swap3A_13], %add3A {strides = array<i32>} : memref<256x10xf32, #tpu.memory_space<vmem>>, vector<256x10xf32>,
    %eq3A_15 = arith.constant 7 : i32
    %eq3A_16 = arith.cmpi eq, %arg0, %eq3A_15 : i32
    %convert_element_type3A_17 = arith.extui %eq3A_16 : i1 to i32
    %cond3A_18 = arith.constant 0 : i32
    %cond3A_19 = arith.cmpi ne, %convert_element_type3A_17, %cond3A_18 : i32
    scf.if %cond3A_19 {
      %get3A_20 = arith.constant 0 : index
      %get3A_21 = arith.constant 0 : index
      %get3A_22 = vector.load %arg3[%get3A_20, %get3A_21] : memref<32x16xf32, #tpu.memory_space<vmem>>, vector<32x16xf32>
      %reduce_sum3A = arith.constant dense<0.000000e+00> : vector<16xf32>
      %reduce_sum3A_23 = vector.multi_reduction <add>, %get3A_22, %reduce_sum3A [0] : vector<32x16xf32> to vector<16xf32>
      %broadcast_in_dim3A = vector.shape_cast %reduce_sum3A_23 : vector<16xf32> to vector<1x16xf32>
      %slice3A = vector.extract_strided_slice %broadcast_in_dim3A {offsets = [0, 0], sizes = [1, 10], strides = [1, 1]} : vector<1x16xf32> to vector<1x10xf32>
      %get3A_24 = arith.constant 0 : index
      %get3A_25 = arith.constant 0 : index
      %get3A_26 = vector.load %arg4[%get3A_24, %get3A_25] : memref<256x10xf32, #tpu.memory_space<vmem>>, vector<256x10xf32>
      %gt3A = arith.constant 0.000000e+00 : f32
      %gt3A_27 = vector.broadcast %gt3A : f32 to vector<1x10xf32>
      %gt3A_28 = arith.cmpf ogt, %slice3A, %gt3A_27 : vector<1x10xf32>
      %div3A = vector.broadcast %slice3A : vector<1x10xf32> to vector<256x10xf32>
      %div3A_29 = arith.divf %get3A_26, %div3A : vector<256x10xf32>
      %jit3A = arith.constant 0.000000e+00 : f32
      %broadcast_in_dim3A_30 = vector.shape_cast %gt3A_28 : vector<1x10xi1> to vector<1x10xi1>
      %broadcast_in_dim3A_31 = vector.broadcast %broadcast_in_dim3A_30 : vector<1x10xi1> to vector<256x10xi1>
      %broadcast_in_dim3A_32 = vector.broadcast %jit3A : f32 to vector<256x10xf32>
      %select_n3A = arith.select %broadcast_in_dim3A_31, %div3A_29, %broadcast_in_dim3A_32 : vector<256x10xi1>, vector<256x10xf32>
      %swap3A_33 = arith.constant 0 : index
      %swap3A_34 = arith.constant 0 : index
      %swap3A_35 = vector.load %arg4[%swap3A_33, %swap3A_34] : memref<256x10xf32, #tpu.memory_space<vmem>>, vector<256x10xf32>
      tpu.vector_store %arg4[%swap3A_33, %swap3A_34], %select_n3A {strides = array<i32>} : memref<256x10xf32, #tpu.memory_space<vmem>>, vector<256x10xf32>,
    } else {
    }
    return
  }
  func.func @transform_0(%arg0: i32) -> (i32, i32) {
    %c0_i32 = arith.constant 0 : i32
    %c0_i32_0 = arith.constant 0 : i32
    return %c0_i32, %arg0 : i32, i32
  }
  func.func @transform_1(%arg0: i32) -> (i32, i32) {
    %c0_i32 = arith.constant 0 : i32
    %c0_i32_0 = arith.constant 0 : i32
    return %c0_i32, %arg0 : i32, i32
  }
  func.func @transform_2(%arg0: i32) -> (i32, i32) {
    %c0_i32 = arith.constant 0 : i32
    %c0_i32_0 = arith.constant 0 : i32
    %c0_i32_1 = arith.constant 0 : i32
    return %c0_i32, %c0_i32_0 : i32, i32
  }
  func.func @transform_3(%arg0: i32) -> (i32, i32) {
    %c0_i32 = arith.constant 0 : i32
    %c0_i32_0 = arith.constant 0 : i32
    %c0_i32_1 = arith.constant 0 : i32
    return %c0_i32, %c0_i32_0 : i32, i32
  }
}

</mosaic_0001>

<sc_bundles>
// kernel: kernel.4.cloned.1.call-start
scs
__scs_entry_jumppad:
0x0: {  	(pc) =	sbr.rel $0x88, $3  }
0x1: {  	(tag) =	ssettag $0x0;
	lr =	simm.s32 $0x1  }
0x2: {  	[smem:$0x3F9F] =	sst lr;
	_ =	strace $0xD0000000  }
0x3: {  	_ = 	snop  }
0x4: {  	_ = 	snop  }
0x5: {  	_ = 	snop  }
0x6: {  	_ = 	snop  }
0x7: {  	_ = 	snop  }
__scs_overlays_trampoline_lowered:
0x8: {  	[smem:$0x3FAE] =	sst s0  }
0x9: {  	[smem:$0x3FAF] =	sst s1  }
0xa: {  	[smem:$0x3FB0] =	sst s2  }
0xb: {  	[smem:$0x3FB1] =	sst s3  }
0xc: {  	[smem:$0x3FB2] =	sst s4  }
0xd: {  	[smem:$0x3FB3] =	sst s5  }
0xe: {  	[smem:$0x3FB4] =	sst s6  }
0xf: {  	[smem:$0x3FB5] =	sst s7  }
0x10: {  	[smem:$0x3FB6] =	sst s8  }
0x11: {  	[smem:$0x3FB7] =	sst s9;
	s0 =	simm.s32 @!p0 $0x0  }
0x12: {  	s1 =	sld [smem:$0x3F9D];
	s0 =	simm.s32 @p0 $0x1  }
0x13: {  	[smem:$0x3FB8] =	sst s0;
	s0 =	simm.s32 @!p1 $0x0  }
0x14: {  	s2 =	sld [smem:$0x3F9C];
	s0 =	simm.s32 @p1 $0x1  }
0x15: {  	[smem:$0x3FB9] =	sst s0;
	s0 =	simm.s32 @!p2 $0x0  }
0x16: {  	s3 =	sld [smem:$0x3FDB];
	s0 =	simm.s32 @p2 $0x1  }
0x17: {  	s4 =	simm.s32 $0x1BF5;
	[smem:$0x3FBB] =	sst s0  }
0x18: {  	s0 =	sld [smem:$0x3F9E];
	_ =	swait.ge [sflag:s4], $0x0  }
0x19: {  	s7 =	sld [smem:$0x3F9F]  }
0x1a: {  	s8 =	sadd.s32 $0xFFFFE003, lr  }
0x1b: {  	s9 =	sadd.s32 $0xFFFFFEF7, lr;
	s5 =	simm.s32 $0xFFFFFFFF;
	p2 =	slt.u32 s8, $0xFFFFF086  }
0x1c: {  	p1 =	slt.u32 s9, $0xF7A;
	s5 =	simm.s32 @!p2 $0x0  }
0x1d: {  	s5 =	simm.s32 @p1 $0x1;
	p0 =	seq.s32 s7, s2  }
0x1e: {  	s7 =	smul.u32 @!p0 $0xF7A, s2;
	p2 =	seq.s32 @!p0 s5, $0x0  }
0x1f: {  	s9 =	smul.u32 $0xF7A, s1;
	s8 =	simm.s32 @!p0 $0x1BF5;
	p2 =	por !p2, p0  }
0x20: {  	[sflag:s8] =	ssyncset.s32 @!p0 $0xFFFFF086;
	s6 =	sadd.s32 @!p0 s3, s7;
	s7 =	simm.s32 @!p0 $0x108  }
0x21: {  	s3 =	sadd.s32 s3, s9;
	s6 =	sadd.s32 @!p0 $0x88, s6;
	s7 =	simm.s32 @p2 $0x1082  }
0x22: {  	[simem:s7], [sflag:s8] =	dma.local @!p0 [hbm:s6], $0xF7A  }
0x23: {  	s9 =	sor.u32 $0xD0000000, s2;
	s6 =	simm.s32 $0x108;
	_ =	swait.ge @!p0 [sflag:s8], $0x0  }
0x24: {  	s3 =	sadd.s32 $0x88, s3;
	s6 =	simm.s32 @!p1 $0x1082;
	[sflag:s4] =	ssyncset.s32 $0xFFFFF086  }
0x25: {  	[simem:s6], [sflag:s4] =	dma.local [hbm:s3], $0xF7A  }
0x26: {  	[smem:$0x3F9F] =	sst s1;
	(tag) =	ssettag s2;
	_ =	strace s9  }
0x27: {  	s1 =	sld [smem:$0x3FAF]  }
0x28: {  	s2 =	sld [smem:$0x3FB0]  }
0x29: {  	s4 =	sld [smem:$0x3FB2]  }
0x2a: {  	p0 =	seq.s32 s5, $0x0;
	s5 =	sld [smem:$0x3FB3]  }
0x2b: {  	s6 =	sld [smem:$0x3FB4]  }
0x2c: {  	s7 =	sld [smem:$0x3FB5]  }
0x2d: {  	s3 =	simm.s32 $0x108;
	s8 =	sld [smem:$0x3FB6]  }
0x2e: {  	s3 =	simm.s32 @!p0 $0x1082;
	s9 =	sld [smem:$0x3FB7]  }
0x2f: {  	lr =	sadd.s32 s0, s3;
	s0 =	sld [smem:$0x3FAE]  }
0x30: {  	s3 =	sld [smem:$0x3FB1]  }
0x31: {  	[smem:$0x3FBA] =	sst s10  }
0x32: {  	s10 =	sld [smem:$0x3FB8];
	_ =	sdelay $0x3  }
0x33: {  	p0 =	seq.s32 s10, $0x1;
	s10 =	sld [smem:$0x3FBA];
	_ =	sdelay $0x3  }
0x34: {  	[smem:$0x3FBA] =	sst s10  }
0x35: {  	s10 =	sld [smem:$0x3FB9];
	_ =	sdelay $0x3  }
0x36: {  	p1 =	seq.s32 s10, $0x1;
	s10 =	sld [smem:$0x3FBA];
	_ =	sdelay $0x3  }
0x37: {  	[smem:$0x3FBA] =	sst s10  }
0x38: {  	s10 =	sld [smem:$0x3FBB]  }
0x39: {  	_ = 	snop;
	(pc) =	sbr.ind lr, $3  }
0x3a: {  	_ = 	snop  }
0x3b: {  	_ = 	snop  }
0x3c: {  	p2 =	seq.s32 s10, $0x1;
	s10 =	sld [smem:$0x3FBA]  }
0x3d: {  	_ =	shalt  }
0x3e: {  	_ =	shalt  }
0x3f: {  	_ =	shalt  }
0x40: {  	_ =	shalt  }
0x41: {  	_ =	shalt  }
0x42: {  	_ =	shalt  }
0x43: {  	_ =	shalt  }
0x44: {  	_ =	shalt  }
0x45: {  	_ =	shalt  }
0x46: {  	_ =	shalt  }
0x47: {  	_ =	shalt  }
0x48: {  	_ =	shalt  }
0x49: {  	_ =	shalt  }
0x4a: {  	_ =	shalt  }
0x4b: {  	_ =	shalt  }
0x4c: {  	_ =	shalt  }
0x4d: {  	_ =	shalt  }
0x4e: {  	_ =	shalt  }
0x4f: {  	_ =	shalt  }
0x50: {  	_ =	shalt  }
0x51: {  	_ =	shalt  }
0x52: {  	_ =	shalt  }
0x53: {  	_ =	shalt  }
0x54: {  	_ =	shalt  }
0x55: {  	_ =	shalt  }
0x56: {  	_ =	shalt  }
0x57: {  	_ =	shalt  }
0x58: {  	_ =	shalt  }
0x59: {  	_ =	shalt  }
0x5a: {  	_ =	shalt  }
0x5b: {  	_ =	shalt  }
0x5c: {  	_ =	shalt  }
0x5d: {  	_ =	shalt  }
0x5e: {  	_ =	shalt  }
0x5f: {  	_ =	shalt  }
0x60: {  	_ =	shalt  }
0x61: {  	_ =	shalt  }
0x62: {  	_ =	shalt  }
0x63: {  	_ =	shalt  }
0x64: {  	_ =	shalt  }
0x65: {  	_ =	shalt  }
0x66: {  	_ =	shalt  }
0x67: {  	_ =	shalt  }
0x68: {  	_ =	shalt  }
0x69: {  	_ =	shalt  }
0x6a: {  	_ =	shalt  }
0x6b: {  	_ =	shalt  }
0x6c: {  	_ =	shalt  }
0x6d: {  	_ =	shalt  }
0x6e: {  	_ =	shalt  }
0x6f: {  	_ =	shalt  }
0x70: {  	_ =	shalt  }
0x71: {  	_ =	shalt  }
0x72: {  	_ =	shalt  }
0x73: {  	_ =	shalt  }
0x74: {  	_ =	shalt  }
0x75: {  	_ =	shalt  }
0x76: {  	_ =	shalt  }
0x77: {  	_ =	shalt  }
0x78: {  	_ =	shalt  }
0x79: {  	_ =	shalt  }
0x7a: {  	_ =	shalt  }
0x7b: {  	_ =	shalt  }
0x7c: {  	_ =	shalt  }
0x7d: {  	_ =	shalt  }
0x7e: {  	_ =	shalt  }
0x7f: {  	_ =	shalt  }
0x80: {  	_ =	shalt  }
0x81: {  	_ =	shalt  }
0x82: {  	_ =	shalt  }
0x83: {  	_ =	shalt  }
0x84: {  	_ =	shalt  }
0x85: {  	_ =	shalt  }
0x86: {  	_ =	shalt  }
0x87: {  	_ =	shalt  }
.Lfunc_end0:
.L_simem_size_0:
called_computation_lowered:
.L_overlay_start_0:
0x88: {  	s2 =	sld [smem:$0x3FD9]  }
0x89: {  	s3 =	sld [smem:$0x3FFE];
	_ =	sdelay $0x1  }
0x8a: {  	s1 =	srdreg.scid  }
0x8b: {  	s0 =	sand.u32 $0x1, s1  }
0x8c: {  	s18 =	sshll.u32 s0, $0xA;
	s2 =	sadd.s32 s3, s2  }
0x8d: {  	s2 =	sadd.s32 s2, s18  }
0x8e: {  	[smem:$0x3FC6] =	sst s2  }
0x8f: {  	_ = 	snop  }
0x90: {  	s2 =	sld [smem:$0x3FD0];
	(tm) =	ssettm $0x1  }
0x91: {  	s19 =	sld [smem:$0x3FFB];
	_ =	sdelay $0x3  }
0x92: {  	_ =	strace s19  }
0x93: {  	s3 =	sld [smem:$0x3FFC];
	_ =	sdelay $0x3  }
0x94: {  	_ =	strace s3  }
0x95: {  	s3 =	sld [smem:$0x3FFD];
	_ =	sdelay $0x3  }
0x96: {  	_ =	strace s3  }
0x97: {  	_ =	strace $0x8FFFFFFF  }
0x98: {  	s20 =	sld [smem:$0x3FDB];
	_ =	sdelay $0x1  }
0x99: {  	s4 =	simm.s32 $_scs_section_size  }
0x9a: {  	s5 =	simm.s32 $_size__tile_overlayer_lowered;
	s6 =	simm.s32 $_tile_overlayer_lowered  }
0x9b: {  	s23 =	simm.s32 $0x1BFF;
	s22 =	sshll.u32 s6, $0x1;
	s3 =	sadd.s32 s4, s20  }
0x9c: {  	s7 =	simm.s32 $0x0;
	s21 =	sshll.u32 s5, $0x1;
	s5 =	sadd.s32 s22, s3  }
0x9d: {  	[timem:s7], [sflag:s23] =	dma.local [hbm:s5], s21  }
0x9e: {  	_ =	swait.ge [sflag:s23], s21  }
0x9f: {  	s4 =	ssub.s32 $0x0, s21;
	[sflag:s23] =	ssyncset.done $0x0  }
0xa0: {  	[sflag:s23] =	ssyncadd.s32 s4;
	_ =	sdelay $0x1  }
0xa1: {  	s24 =	simm.s32 $0x1B8B  }
0xa2: {  	_ =	swait.ge [sflag:s24], $0x1  }
0xa3: {  	[sflag:s24] =	ssyncset.done $0x0  }
0xa4: {  	s25 =	simm.s32 $0x1B8E;
	[sflag:s24] =	ssyncadd.s32 $0xFFFFFFFF  }
0xa5: {  	s26 =	simm.s32 $execute0_lowered;
	[smem:$0x3FD2] =	sst s25  }
0xa6: {  	s4 =	sshll.u32 s26, $0x1;
	_ =	strace $0x80000046;
	[dreg:$0x1] =	wrdreg $0xFFFFFFFF  }
0xa7: {  	s28 =	simm.s32 $_size_execute0_lowered;
	s3 =	sadd.s32 s3, s4;
	[dreg:$0x0] =	wrdreg $0x0  }
0xa8: {  	s4 =	sshll.u32 s28, $0x1;
	[dreg:$0x2] =	wrdreg s3  }
0xa9: {  	[dreg:$0x3] =	wrdreg s4  }
0xaa: {  	[dreg:$0x4] =	wrdreg $0xC0  }
0xab: {  	_ =	task [dreg:s7], $0x5FFFF  }
0xac: {  	[dreg:$0x1] =	wrdreg $0xFFFFFFFF  }
0xad: {  	[dreg:$0x0] =	wrdreg $0x60  }
0xae: {  	[dreg:$0x2] =	wrdreg s2  }
0xaf: {  	[dreg:$0x3] =	wrdreg $0x9  }
0xb0: {  	_ =	task.clear_ibuf [dreg:s7], $0x4FFFF;
	_ =	strace $0x90000046  }
0xb1: {  	s29 =	simm.s32 $0x9;
	_ =	strace $0x80000048  }
0xb2: {  	_ =	swait.ge [sflag:s29], $0x1  }
0xb3: {  	[sflag:s29] =	ssyncadd.s32 $0xFFFFFFFF  }
0xb4: {  	_ =	strace $0x90000048  }
0xb5: {  	_ =	sfence  }
0xb6: {  	s30 =	sld [smem:$0x0];
	_ =	sdelay $0x2  }
0xb7: {  	s31 =	sshll.u32 s1, $0xD;
	s1 =	sshrl.u32 s1, $0x2  }
0xb8: {  	s3 =	sand.u32 $0x4000, s31;
	s1 =	sadd.s32 s1, s30  }
0xb9: {  	s0 =	sor.u32 s3, s0;
	s1 =	sshll.u32 s1, $0x11  }
0xba: {  	s0 =	sor.u32 s1, s0  }
0xbb: {  	s0 =	sadd.s32 $0x8F2B, s0  }
0xbc: {  	[sflag:s0] =	ssyncadd.remote.s32 $0x1  }
0xbd: {  	_ =	sfence.sel $0xFFFF  }
0xbe: {  	[dreg:$0x0] =	wrdreg $0xFFFFFFFF;
	(pc) =	sbr.abs _section_cstart, $3  }
0xbf: {  	[dreg:$0x1] =	wrdreg $0xFFFFFFFF  }
0xc0: {  	_ =	task.clear_ibuf [dreg:s7], $0x2FFFF;
	_ =	strace $0x9FFFFFFF  }
0xc1: {  	(tm) =	ssettm $0x7FFFFFFF  }
tec
execute0_lowered:
.L_overlay_start_1:
0x0: {  	(tag) =	ssettag $0x1  }
0x1: {  	s2 =	srdreg.scid  }
0x2: {  	s4 =	sand.u32 $0x1, s2  }
0x3: {  	s5 =	ssub.s32 $0x2, s4  }
0x4: {  	s3 =	rddreg [dreg:$0x0];
	s6 =	sshrl.u32 s5, $0x1  }
0x5: {  	s0 =	rddreg [dreg:$0x1];
	s1 =	simm.s32 $0x0;
	s5 =	ssub.s32 s5, s6  }
0x6: {  	[smem:$0x7FF] =	sst s1;
	s5 =	smax.u32 s5, $0x1  }
0x7: {  	s2 =	stileid.u32;
	s4 =	sshll.u32 s4, $0x1;
	p0 =	sne.s32 s5, $0x1  }
.Ltmp0:
0x8: {  	v0 =	vimm.f32 $0.0e+00;
	s31 =	sshll.u32 s2, $0x2;
	s3 =	sadd.s32 s3, s4;
	(pc) =	sbr.rel @!p0 .LBB2_2-.Ltmp0, $4  }
0x9: {  	_ =	strace $0x80000047;
	[tilespmem:$0x0] =	vst v0;
	s4 =	simm.s32 $0x1;
	s3 =	sadd.s32 s31, s3  }
0xa: {  	[hbm4b:s3+s1] =	stream.linear.scatter [tilespmem:s1], [sflag:$0x1], $0x10, $0x38;
	[tilespmem:$0x10] =	vst v63  }
0xb: {  	_ =	swait.ge [sflag:s4], $0x10  }
0xc: {  	s5 =	sadd.s32 $0xFFFFFFFF, s5;
	[sflag:s4] =	ssyncset.done $0x0  }
.LBB2_1:
0xd: {  	p0 =	sne.s32 s5, $0x1;
	s5 =	sadd.s32 $0xFFFFFFFF, s5;
	[sflag:s4] =	ssyncadd.s32 $0xFFFFFFF0  }
.Ltmp1:
0xe: {  	(pc) =	sbr.rel @p0 .LBB2_1-.Ltmp1, $4  }
0xf: {  	[tilespmem:$0x0] =	vst v0  }
0x10: {  	[hbm4b:s3+s1] =	stream.linear.scatter [tilespmem:s1], [sflag:$0x1], $0x10, $0x38;
	[tilespmem:$0x10] =	vst v63  }
0x11: {  	_ =	swait.ge [sflag:s4], $0x10  }
0x12: {  	[sflag:s4] =	ssyncset.done $0x0  }
.LBB2_2:
0x13: {  	[sflag:s4] =	ssyncadd.s32 $0xFFFFFFF0  }
0x14: {  	_ =	sfence.sel $0x180000  }
0x15: {  	[bflag:$0x0] =	sbarrier.arrive $0xFFFF  }
0x16: {  	p0 =	sne.s32 s2, $0x0;
	_ =	strace $0x90000047  }
0x17: {  	s0 =	sadd.s32 @!p0 $0x100000, s0;
	[bflag:$0x2] =	sbarrier.arrive $0xFFFF  }
0x18: {  	[sflag:s0] =	ssyncadd.tile.s32 @!p0 $0x1;
	_ =	shalt  }
.Lfunc_end2:
_tile_overlayer_lowered:
.L_overlay_start_2:
0x19: {  	(tag) =	ssettag $0x2  }
0x1a: {  	s0 =	rddreg [dreg:$0x0];
	s2 =	stileid.u32  }
0x1b: {  	s1 =	rddreg [dreg:$0x1];
	p0 =	sne.s32 s2, $0x0  }
0x1c: {  	s3 =	rddreg [dreg:$0x2];
	[bflag:$0x3] =	sbarrier.arrive $0xFFFF;
	s2 =	simm.s32 @!p0 $0x1C01  }
0x1d: {  	[timem:s3], [sflag:s2] =	dma.local @!p0 [hbm:s0], s1  }
0x1e: {  	s0 =	simm.s32 @!p0 $0x1  }
0x1f: {  	_ =	swait.ge @!p0 [sflag:s0], s1  }
0x20: {  	s1 =	ssub.s32 @!p0 $0x0, s1;
	[sflag:s0] =	ssyncset.done @!p0 $0x0  }
0x21: {  	[sflag:s0] =	ssyncadd.s32 @!p0 s1  }
0x22: {  	[bflag:$0x3] =	sbarrier.arrive $0xFFFF  }
0x23: {  	_ =	shalt  }

</sc_bundles>
